<compile_context>
chip_gen: v7x
topology: tpu7x:2x2x1
jax: 0.10.2.dev20260603
libtpu: 0.0.44.dev20260713+nightly
codegen_flags: <defaults>
</compile_context>

<pallas_src>
import functools

import numpy as np
import jax
import jax.numpy as jnp
from jax import lax
from jax.experimental import pallas as pl
from jax.experimental.pallas import tpu as pltpu
from jax.experimental.pallas import tpu_sc as plsc

_N_FALSE_NEGATIVES = 100
_TEMPERATURE = 0.1

_ROT = (13, 15, 26, 6, 17, 29, 16, 24)


def _np_threefry2x32(ks0, ks1, x0, x1):
    def rotl(x, n):
        return ((x << np.uint32(n)) | (x >> np.uint32(32 - n))).astype(np.uint32)

    x0 = np.asarray(x0, np.uint32).copy()
    x1 = np.asarray(x1, np.uint32).copy()
    ks2 = np.uint32(np.uint32(ks0) ^ np.uint32(ks1) ^ np.uint32(0x1BD11BDA))
    ks = (np.uint32(ks0), np.uint32(ks1), ks2)
    x0 = (x0 + ks[0]).astype(np.uint32)
    x1 = (x1 + ks[1]).astype(np.uint32)
    for i in range(5):
        for r in (_ROT[0:4] if i % 2 == 0 else _ROT[4:8]):
            x0 = (x0 + x1).astype(np.uint32)
            x1 = rotl(x1, r)
            x1 = (x1 ^ x0).astype(np.uint32)
        x0 = (x0 + ks[(i + 1) % 3]).astype(np.uint32)
        x1 = (x1 + ks[(i + 2) % 3] + np.uint32(i + 1)).astype(np.uint32)
    return x0, x1


def _np_random_bits32(ks0, ks1, size):
    idx = np.arange(size, dtype=np.uint64)
    c1 = (idx >> np.uint64(32)).astype(np.uint32)
    c2 = (idx & np.uint64(0xFFFFFFFF)).astype(np.uint32)
    b1, b2 = _np_threefry2x32(ks0, ks1, c1, c2)
    return b1 ^ b2


def _np_randint(seed, shape, lo, hi):
    ks0 = np.uint32((seed >> 32) & 0xFFFFFFFF)
    ks1 = np.uint32(seed & 0xFFFFFFFF)
    b1, b2 = _np_threefry2x32(ks0, ks1, np.zeros(2, np.uint32),
                              np.arange(2, dtype=np.uint32))
    size = int(np.prod(shape))
    y = _np_random_bits32(b1[0], b2[0], size)
    z = _np_random_bits32(b1[1], b2[1], size)
    span = np.uint32(hi - lo)
    m16 = np.uint32(np.uint32(65536) % span)
    mult = np.uint32((np.uint64(m16) * np.uint64(m16)) % span)
    q = (((y % span) * mult).astype(np.uint32) + (z % span)).astype(np.uint32) % span
    return (np.int64(lo) + q).astype(np.int32).reshape(shape)


@functools.lru_cache(maxsize=None)
def _neg_count_matrix(m: int) -> np.ndarray:
    d = _np_randint(42, (m, _N_FALSE_NEGATIVES), 0, m - 2)
    i = np.arange(m, dtype=np.int64)[:, None]
    seq2 = d.astype(np.int64) + (d >= i)
    flat = (np.arange(m, dtype=np.int64)[:, None] * m + seq2).ravel()
    counts = np.bincount(flat, minlength=m * m).reshape(m, m)
    return counts.astype(np.int8)


def _sc_gather_rows(table_a, table_b, mask_ids, t_stride):
    m = mask_ids.shape[0]
    d = table_a.shape[1]
    info = plsc.get_sparse_core_info()
    nc, ns, nl = info.num_cores, info.num_subcores, info.num_lanes
    nw = nc * ns
    chunk = m // nw
    assert m % nw == 0 and chunk % nl == 0 and d % nl == 0

    mesh = plsc.VectorSubcoreMesh(core_axis_name="c", subcore_axis_name="s")
    out_type = (
        jax.ShapeDtypeStruct((m, d), jnp.float32),
        jax.ShapeDtypeStruct((m, d), jnp.float32),
    )

    @functools.partial(
        pl.kernel,
        mesh=mesh,
        out_type=out_type,
        compiler_params=pltpu.CompilerParams(needs_layout_passes=False),
        scratch_types=[
            pltpu.VMEM((chunk, 2), jnp.int32),
            pltpu.VMEM((chunk,), jnp.int32),
            pltpu.VMEM((chunk, d), jnp.float32),
            pltpu.VMEM((chunk, d), jnp.float32),
            pltpu.SemaphoreType.DMA,
            pltpu.SemaphoreType.DMA,
        ],
    )
    def gather_kernel(a_hbm, b_hbm, mask_hbm, a_out, b_out,
                      mvec, idx_v, a_rows, b_rows, sem_a, sem_b):
        wid = lax.axis_index("s") * nc + lax.axis_index("c")
        base = wid * chunk
        pltpu.sync_copy(mask_hbm.at[pl.ds(base, chunk), :], mvec)
        lanes = lax.iota(jnp.int32, nl)
        zeros = lanes * 0
        for i in range(chunk // nl):
            li = lanes + nl * i
            rows = plsc.load_gather(mvec, [li, zeros])
            cols = plsc.load_gather(mvec, [li, zeros + 1])
            idx_v[pl.ds(nl * i, nl)] = rows * t_stride + cols
        cp_a = pltpu.async_copy(a_hbm.at[idx_v], a_rows, sem_a)
        cp_b = pltpu.async_copy(b_hbm.at[idx_v], b_rows, sem_b)
        cp_a.wait()
        cp_b.wait()
        pltpu.sync_copy(a_rows, a_out.at[pl.ds(base, chunk)])
        pltpu.sync_copy(b_rows, b_out.at[pl.ds(base, chunk)])

    return gather_kernel(table_a, table_b, mask_ids)


def _tc_loss(p_rows, e_rows, counts):
    m, d = e_rows.shape
    bm = 512
    grid = m // bm
    inv_m = np.float32(1.0 / m)

    def body(p_ref, e_ref, c_ref, loss_ref, acc_ref, en_ref):
        r = pl.program_id(0)

        @pl.when(r == 0)
        def _init():
            e = e_ref[...]
            en_ref[...] = e / jnp.maximum(
                jnp.sqrt(jnp.sum(e * e, axis=1, keepdims=True)), 1e-12)
            loss_ref[0, 0] = jnp.float32(0.0)
            acc_ref[0, 0] = jnp.float32(0.0)

        p = p_ref[...]
        pn = p / (jnp.maximum(
            jnp.sqrt(jnp.sum(p * p, axis=1, keepdims=True)), 1e-12)
            * _TEMPERATURE)
        s = lax.dot_general(
            pn, en_ref[...], (((1,), (1,)), ((), ())),
            preferred_element_type=jnp.float32,
        )
        eq = (r * bm + lax.broadcasted_iota(jnp.int32, (bm, m), 0)
              == lax.broadcasted_iota(jnp.int32, (bm, m), 1))
        pos = jnp.sum(jnp.where(eq, s, 0.0), axis=1, keepdims=True)
        cf = c_ref[...].astype(jnp.float32)
        shift = np.float32(1.0 / _TEMPERATURE)
        expw = jnp.sum(jnp.exp(s - shift) * cf, axis=1, keepdims=True)
        beat = jnp.sum(jnp.where(s > pos, cf, 0.0), axis=1, keepdims=True)
        loss_vec = shift + jnp.log(expw + jnp.exp(pos - shift)) - pos
        acc_vec = (beat == 0.0).astype(jnp.float32)
        loss_ref[0, 0] += jnp.sum(loss_vec) * inv_m
        acc_ref[0, 0] += jnp.sum(acc_vec) * inv_m

    loss, acc = pl.pallas_call(
        body,
        grid=(grid,),
        in_specs=[
            pl.BlockSpec((bm, d), lambda r: (r, 0)),
            pl.BlockSpec((m, d), lambda r: (0, 0)),
            pl.BlockSpec((bm, m), lambda r: (r, 0)),
        ],
        out_specs=[
            pl.BlockSpec(memory_space=pltpu.SMEM),
            pl.BlockSpec(memory_space=pltpu.SMEM),
        ],
        out_shape=[
            jax.ShapeDtypeStruct((1, 1), jnp.float32),
            jax.ShapeDtypeStruct((1, 1), jnp.float32),
        ],
        scratch_shapes=[pltpu.VMEM((m, d), jnp.float32)],
        compiler_params=pltpu.CompilerParams(
            dimension_semantics=("arbitrary",)),
    )(p_rows, e_rows, counts)
    return loss[0, 0], acc[0, 0]


def kernel(input_predicted, input_encoded, mask_ids):
    b, t, d = input_encoded.shape
    m = mask_ids.shape[0]
    enc = input_encoded.reshape(b * t, d)
    pred = input_predicted.reshape(b * t, d)
    e_rows, p_rows = _sc_gather_rows(enc, pred, mask_ids, t)
    counts = jnp.asarray(_neg_count_matrix(m))
    loss, acc = _tc_loss(p_rows, e_rows, counts)
    return loss, acc

# --- scband reference (transcript-rebuilt; emitter-appended) ---
"""Pipeline reference for scband-masked-reconstruction-loss-18064632447412 (READ-ONLY COPY).

The authoritative reference and input builder live on the scoring server;
editing this copy changes nothing except your own understanding.
"""

import jax, jax.numpy as jnp
import numpy as np

N_FALSE_NEGATIVES = 100
TEMPERATURE = 0.1
NORMALIZE = True
B, T, D, M = 4, 2048, 768, 2048


def setup_inputs(seed: int = 0) -> dict:
    key = jax.random.key(seed)
    k1, k2, k3, k4 = jax.random.split(key, 4)
    input_predicted = jax.random.normal(k1, (B, T, D), dtype=jnp.float32)
    input_encoded = jax.random.normal(k2, (B, T, D), dtype=jnp.float32)
    col0 = jax.random.randint(k3, (M,), 0, B, dtype=jnp.int32)
    col1 = jax.random.randint(k4, (M,), 0, T, dtype=jnp.int32)
    mask_ids = jnp.stack([col0, col1], axis=1)
    return {"input_predicted": input_predicted, "input_encoded": input_encoded, "mask_ids": mask_ids}


def reference(input_predicted, input_encoded, mask_ids):
    M_ = mask_ids.shape[0]
    # positives: gather encoded features at masked positions
    positives = input_encoded[mask_ids[:, 0], mask_ids[:, 1]][:, None, :]
    # negatives: for each anchor i, sample N_FALSE_NEGATIVES distractor indices
    # from arange(0, M-1) (candidates), skipping index i (the positive).
    nkey = jax.random.key(42)
    d = jax.random.randint(nkey, (M_, N_FALSE_NEGATIVES), 0, M_ - 2, dtype=jnp.int32)
    i = jnp.arange(M_, dtype=jnp.int32)[:, None]
    seq2 = d + (d >= i).astype(jnp.int32)  # skip over positive index
    neg_rows = mask_ids[seq2, 0]
    neg_cols = mask_ids[seq2, 1]
    negatives = input_encoded[neg_rows, neg_cols]  # [M, N_neg, D] gather
    candidates = jnp.concatenate([positives, negatives], axis=1)  # [M, 1+N_neg, D]
    preds = input_predicted[mask_ids[:, 0], mask_ids[:, 1]]  # [M, D]
    if NORMALIZE:
        candidates = candidates / jnp.clip(jnp.linalg.norm(candidates, axis=-1, keepdims=True), 1e-12)
        preds = preds / jnp.clip(jnp.linalg.norm(preds, axis=-1, keepdims=True), 1e-12)
    sim = jnp.sum(preds[:, None, :] * candidates, axis=-1) / TEMPERATURE  # [M, 1+N_neg]
    # cross entropy with target class 0 (positive in slot 0)
    logz = jax.nn.logsumexp(sim, axis=-1)
    loss = jnp.mean(logz - sim[:, 0])
    acc = jnp.mean((jnp.argmax(sim, axis=-1) == 0).astype(jnp.float32))
    return loss, acc

if __name__ == "__main__":
    import jax
    _d = setup_inputs()
    print(jax.jit(kernel)(*tuple(_d.values())))

</pallas_src>

<mosaic_0001>
#map = affine_map<(d0, d1) -> (0, 0)>
module attributes {stable_mosaic.version = 14 : i64} {
  func.func @gather_kernel(%arg0: i32, %arg1: i32, %arg2: memref<8192x768xf32, #tpu.memory_space<hbm>>, %arg3: memref<8192x768xf32, #tpu.memory_space<hbm>>, %arg4: memref<2048x2xi32, #tpu.memory_space<hbm>>, %arg5: memref<2048x768xf32, #tpu.memory_space<hbm>>, %arg6: memref<2048x768xf32, #tpu.memory_space<hbm>>, %arg7: memref<64x2xi32, #tpu.memory_space<vmem>>, %arg8: memref<64xi32, #tpu.memory_space<vmem>>, %arg9: memref<64x768xf32, #tpu.memory_space<vmem>>, %arg10: memref<64x768xf32, #tpu.memory_space<vmem>>, %arg11: memref<!tpu.dma_semaphore, #tpu.memory_space<semaphore_mem>>, %arg12: memref<!tpu.dma_semaphore, #tpu.memory_space<semaphore_mem>>) attributes {dimension_semantics = [#tpu.dimension_semantics<core_parallel>, #tpu.dimension_semantics<subcore_parallel>], iteration_bounds = array<i64: 2, 16>, scalar_prefetch = 0 : i64, scratch_operands = 6 : i64, tpu.core_type = #tpu.core_type<sc_vector_subcore>, window_params = [{transform_indices = #map}, {transform_indices = #map}, {transform_indices = #map}, {transform_indices = #map}, {transform_indices = #map}]} {
    %mul3A = arith.constant 2 : i32
    %mul3A_0 = arith.muli %arg1, %mul3A : i32
    %add3A = arith.addi %mul3A_0, %arg0 : i32
    %mul3A_1 = arith.constant 64 : i32
    %mul3A_2 = arith.muli %add3A, %mul3A_1 : i32
    "tpu.region"() ({
      %run_scoped3A = tpu.sem_alloc : memref<!tpu.dma_semaphore, #tpu.memory_space<semaphore_mem>>
      %dma_start3A_70 = arith.constant 0 : i32
      %dma_start3A_71 = tpu.memref_slice %arg4[%mul3A_2, %dma_start3A_70] : memref<2048x2xi32, #tpu.memory_space<hbm>> -> memref<64x2xi32, #tpu.memory_space<hbm>>
      %dma_start3A_72 = arith.constant 0 : i32
      %dma_start3A_73 = tpu.memref_slice %arg4[%mul3A_2, %dma_start3A_72] : memref<2048x2xi32, #tpu.memory_space<hbm>> -> memref<64x2xi32, #tpu.memory_space<hbm>>
      tpu.enqueue_dma source(%dma_start3A_73 : memref<64x2xi32, #tpu.memory_space<hbm>>) target(%arg7 : memref<64x2xi32, #tpu.memory_space<vmem>>) target_semaphore(%run_scoped3A : memref<!tpu.dma_semaphore, #tpu.memory_space<semaphore_mem>>)
      %dma_wait3A_74 = arith.constant 0 : i32
      %dma_wait3A_75 = tpu.memref_slice %arg4[%mul3A_2, %dma_wait3A_74] : memref<2048x2xi32, #tpu.memory_space<hbm>> -> memref<64x2xi32, #tpu.memory_space<hbm>>
      %dma_wait3A_76 = arith.constant 0 : i32
      %dma_wait3A_77 = tpu.memref_slice %arg4[%mul3A_2, %dma_wait3A_76] : memref<2048x2xi32, #tpu.memory_space<hbm>> -> memref<64x2xi32, #tpu.memory_space<hbm>>
      tpu.wait_dma2 semaphore(%run_scoped3A : memref<!tpu.dma_semaphore, #tpu.memory_space<semaphore_mem>>) src(%dma_wait3A_77 : memref<64x2xi32, #tpu.memory_space<hbm>>) dst(%arg7 : memref<64x2xi32, #tpu.memory_space<vmem>>)
      tpu.yield
    }) : () -> ()
    %iota3A = tpu.iota {dimensions = array<i32: 0>} : vector<16xi32>
    %mul3A_3 = arith.constant 0 : i32
    %mul3A_4 = vector.broadcast %mul3A_3 : i32 to vector<16xi32>
    %mul3A_5 = arith.muli %iota3A, %mul3A_4 : vector<16xi32>
    %add3A_6 = arith.constant 0 : i32
    %add3A_7 = vector.broadcast %add3A_6 : i32 to vector<16xi32>
    %add3A_8 = arith.addi %iota3A, %add3A_7 : vector<16xi32>
    %gather3A = tpu.vector_load_idx %arg7[%add3A_8, %mul3A_5] : memref<64x2xi32, #tpu.memory_space<vmem>>[vector<16xi32>, vector<16xi32>], vector<16xi32>,
    %add3A_9 = arith.constant 1 : i32
    %add3A_10 = vector.broadcast %add3A_9 : i32 to vector<16xi32>
    %add3A_11 = arith.addi %mul3A_5, %add3A_10 : vector<16xi32>
    %gather3A_12 = tpu.vector_load_idx %arg7[%add3A_8, %add3A_11] : memref<64x2xi32, #tpu.memory_space<vmem>>[vector<16xi32>, vector<16xi32>], vector<16xi32>,
    %mul3A_13 = arith.constant 2048 : i32
    %mul3A_14 = vector.broadcast %mul3A_13 : i32 to vector<16xi32>
    %mul3A_15 = arith.muli %gather3A, %mul3A_14 : vector<16xi32>
    %add3A_16 = arith.addi %mul3A_15, %gather3A_12 : vector<16xi32>
    %swap3A = arith.constant 0 : index
    %swap3A_17 = tpu.vector_load %arg8[%swap3A] {strides = array<i32>} : memref<64xi32, #tpu.memory_space<vmem>>, vector<16xi32>,
    tpu.vector_store %arg8[%swap3A], %add3A_16 {strides = array<i32>} : memref<64xi32, #tpu.memory_space<vmem>>, vector<16xi32>,
    %add3A_18 = arith.constant 16 : i32
    %add3A_19 = vector.broadcast %add3A_18 : i32 to vector<16xi32>
    %add3A_20 = arith.addi %iota3A, %add3A_19 : vector<16xi32>
    %gather3A_21 = tpu.vector_load_idx %arg7[%add3A_20, %mul3A_5] : memref<64x2xi32, #tpu.memory_space<vmem>>[vector<16xi32>, vector<16xi32>], vector<16xi32>,
    %add3A_22 = arith.constant 1 : i32
    %add3A_23 = vector.broadcast %add3A_22 : i32 to vector<16xi32>
    %add3A_24 = arith.addi %mul3A_5, %add3A_23 : vector<16xi32>
    %gather3A_25 = tpu.vector_load_idx %arg7[%add3A_20, %add3A_24] : memref<64x2xi32, #tpu.memory_space<vmem>>[vector<16xi32>, vector<16xi32>], vector<16xi32>,
    %mul3A_26 = arith.constant 2048 : i32
    %mul3A_27 = vector.broadcast %mul3A_26 : i32 to vector<16xi32>
    %mul3A_28 = arith.muli %gather3A_21, %mul3A_27 : vector<16xi32>
    %add3A_29 = arith.addi %mul3A_28, %gather3A_25 : vector<16xi32>
    %swap3A_30 = arith.constant 16 : index
    %swap3A_31 = tpu.vector_load %arg8[%swap3A_30] {strides = array<i32>} : memref<64xi32, #tpu.memory_space<vmem>>, vector<16xi32>,
    tpu.vector_store %arg8[%swap3A_30], %add3A_29 {strides = array<i32>} : memref<64xi32, #tpu.memory_space<vmem>>, vector<16xi32>,
    %add3A_32 = arith.constant 32 : i32
    %add3A_33 = vector.broadcast %add3A_32 : i32 to vector<16xi32>
    %add3A_34 = arith.addi %iota3A, %add3A_33 : vector<16xi32>
    %gather3A_35 = tpu.vector_load_idx %arg7[%add3A_34, %mul3A_5] : memref<64x2xi32, #tpu.memory_space<vmem>>[vector<16xi32>, vector<16xi32>], vector<16xi32>,
    %add3A_36 = arith.constant 1 : i32
    %add3A_37 = vector.broadcast %add3A_36 : i32 to vector<16xi32>
    %add3A_38 = arith.addi %mul3A_5, %add3A_37 : vector<16xi32>
    %gather3A_39 = tpu.vector_load_idx %arg7[%add3A_34, %add3A_38] : memref<64x2xi32, #tpu.memory_space<vmem>>[vector<16xi32>, vector<16xi32>], vector<16xi32>,
    %mul3A_40 = arith.constant 2048 : i32
    %mul3A_41 = vector.broadcast %mul3A_40 : i32 to vector<16xi32>
    %mul3A_42 = arith.muli %gather3A_35, %mul3A_41 : vector<16xi32>
    %add3A_43 = arith.addi %mul3A_42, %gather3A_39 : vector<16xi32>
    %swap3A_44 = arith.constant 32 : index
    %swap3A_45 = tpu.vector_load %arg8[%swap3A_44] {strides = array<i32>} : memref<64xi32, #tpu.memory_space<vmem>>, vector<16xi32>,
    tpu.vector_store %arg8[%swap3A_44], %add3A_43 {strides = array<i32>} : memref<64xi32, #tpu.memory_space<vmem>>, vector<16xi32>,
    %add3A_46 = arith.constant 48 : i32
    %add3A_47 = vector.broadcast %add3A_46 : i32 to vector<16xi32>
    %add3A_48 = arith.addi %iota3A, %add3A_47 : vector<16xi32>
    %gather3A_49 = tpu.vector_load_idx %arg7[%add3A_48, %mul3A_5] : memref<64x2xi32, #tpu.memory_space<vmem>>[vector<16xi32>, vector<16xi32>], vector<16xi32>,
    %add3A_50 = arith.constant 1 : i32
    %add3A_51 = vector.broadcast %add3A_50 : i32 to vector<16xi32>
    %add3A_52 = arith.addi %mul3A_5, %add3A_51 : vector<16xi32>
    %gather3A_53 = tpu.vector_load_idx %arg7[%add3A_48, %add3A_52] : memref<64x2xi32, #tpu.memory_space<vmem>>[vector<16xi32>, vector<16xi32>], vector<16xi32>,
    %mul3A_54 = arith.constant 2048 : i32
    %mul3A_55 = vector.broadcast %mul3A_54 : i32 to vector<16xi32>
    %mul3A_56 = arith.muli %gather3A_49, %mul3A_55 : vector<16xi32>
    %add3A_57 = arith.addi %mul3A_56, %gather3A_53 : vector<16xi32>
    %swap3A_58 = arith.constant 48 : index
    %swap3A_59 = tpu.vector_load %arg8[%swap3A_58] {strides = array<i32>} : memref<64xi32, #tpu.memory_space<vmem>>, vector<16xi32>,
    tpu.vector_store %arg8[%swap3A_58], %add3A_57 {strides = array<i32>} : memref<64xi32, #tpu.memory_space<vmem>>, vector<16xi32>,
    %dma_start3A = arith.constant 0 : i32
    %dma_start3A_60 = arith.constant 0 : i32
    %dma_start3A_61 = tpu.memref_slice %arg2[%dma_start3A, %dma_start3A_60] : memref<8192x768xf32, #tpu.memory_space<hbm>> -> memref<8192x768xf32, #tpu.memory_space<hbm>>
    tpu.enqueue_indirect_dma source(%dma_start3A_61 : memref<8192x768xf32, #tpu.memory_space<hbm>>) target(%arg9 : memref<64x768xf32, #tpu.memory_space<vmem>>) offsets(%arg8 : memref<64xi32, #tpu.memory_space<vmem>>) semaphore(%arg11 : memref<!tpu.dma_semaphore, #tpu.memory_space<semaphore_mem>>)
    %dma_start3A_62 = arith.constant 0 : i32
    %dma_start3A_63 = arith.constant 0 : i32
    %dma_start3A_64 = tpu.memref_slice %arg3[%dma_start3A_62, %dma_start3A_63] : memref<8192x768xf32, #tpu.memory_space<hbm>> -> memref<8192x768xf32, #tpu.memory_space<hbm>>
    tpu.enqueue_indirect_dma source(%dma_start3A_64 : memref<8192x768xf32, #tpu.memory_space<hbm>>) target(%arg10 : memref<64x768xf32, #tpu.memory_space<vmem>>) offsets(%arg8 : memref<64xi32, #tpu.memory_space<vmem>>) semaphore(%arg12 : memref<!tpu.dma_semaphore, #tpu.memory_space<semaphore_mem>>)
    %dma_wait3A = arith.constant 0 : i32
    %dma_wait3A_65 = arith.constant 0 : i32
    %dma_wait3A_66 = tpu.memref_slice %arg2[%dma_wait3A, %dma_wait3A_65] : memref<8192x768xf32, #tpu.memory_space<hbm>> -> memref<8192x768xf32, #tpu.memory_space<hbm>>
    tpu.wait_indirect_dma semaphore(%arg11 : memref<!tpu.dma_semaphore, #tpu.memory_space<semaphore_mem>>) src(%dma_wait3A_66 : memref<8192x768xf32, #tpu.memory_space<hbm>>) dst(%arg9 : memref<64x768xf32, #tpu.memory_space<vmem>>)
    %dma_wait3A_67 = arith.constant 0 : i32
    %dma_wait3A_68 = arith.constant 0 : i32
    %dma_wait3A_69 = tpu.memref_slice %arg3[%dma_wait3A_67, %dma_wait3A_68] : memref<8192x768xf32, #tpu.memory_space<hbm>> -> memref<8192x768xf32, #tpu.memory_space<hbm>>
    tpu.wait_indirect_dma semaphore(%arg12 : memref<!tpu.dma_semaphore, #tpu.memory_space<semaphore_mem>>) src(%dma_wait3A_69 : memref<8192x768xf32, #tpu.memory_space<hbm>>) dst(%arg10 : memref<64x768xf32, #tpu.memory_space<vmem>>)
    "tpu.region"() ({
      %run_scoped3A = tpu.sem_alloc : memref<!tpu.dma_semaphore, #tpu.memory_space<semaphore_mem>>
      %dma_start3A_70 = arith.constant 0 : i32
      %dma_start3A_71 = tpu.memref_slice %arg5[%mul3A_2, %dma_start3A_70] : memref<2048x768xf32, #tpu.memory_space<hbm>> -> memref<64x768xf32, #tpu.memory_space<hbm>>
      %dma_start3A_72 = arith.constant 0 : i32
      %dma_start3A_73 = tpu.memref_slice %arg5[%mul3A_2, %dma_start3A_72] : memref<2048x768xf32, #tpu.memory_space<hbm>> -> memref<64x768xf32, #tpu.memory_space<hbm>>
      tpu.enqueue_dma source(%arg9 : memref<64x768xf32, #tpu.memory_space<vmem>>) target(%dma_start3A_73 : memref<64x768xf32, #tpu.memory_space<hbm>>) target_semaphore(%run_scoped3A : memref<!tpu.dma_semaphore, #tpu.memory_space<semaphore_mem>>)
      %dma_wait3A_74 = arith.constant 0 : i32
      %dma_wait3A_75 = tpu.memref_slice %arg5[%mul3A_2, %dma_wait3A_74] : memref<2048x768xf32, #tpu.memory_space<hbm>> -> memref<64x768xf32, #tpu.memory_space<hbm>>
      %dma_wait3A_76 = arith.constant 0 : i32
      %dma_wait3A_77 = tpu.memref_slice %arg5[%mul3A_2, %dma_wait3A_76] : memref<2048x768xf32, #tpu.memory_space<hbm>> -> memref<64x768xf32, #tpu.memory_space<hbm>>
      tpu.wait_dma2 semaphore(%run_scoped3A : memref<!tpu.dma_semaphore, #tpu.memory_space<semaphore_mem>>) src(%arg9 : memref<64x768xf32, #tpu.memory_space<vmem>>) dst(%dma_wait3A_77 : memref<64x768xf32, #tpu.memory_space<hbm>>)
      tpu.yield
    }) : () -> ()
    "tpu.region"() ({
      %run_scoped3A = tpu.sem_alloc : memref<!tpu.dma_semaphore, #tpu.memory_space<semaphore_mem>>
      %dma_start3A_70 = arith.constant 0 : i32
      %dma_start3A_71 = tpu.memref_slice %arg6[%mul3A_2, %dma_start3A_70] : memref<2048x768xf32, #tpu.memory_space<hbm>> -> memref<64x768xf32, #tpu.memory_space<hbm>>
      %dma_start3A_72 = arith.constant 0 : i32
      %dma_start3A_73 = tpu.memref_slice %arg6[%mul3A_2, %dma_start3A_72] : memref<2048x768xf32, #tpu.memory_space<hbm>> -> memref<64x768xf32, #tpu.memory_space<hbm>>
      tpu.enqueue_dma source(%arg10 : memref<64x768xf32, #tpu.memory_space<vmem>>) target(%dma_start3A_73 : memref<64x768xf32, #tpu.memory_space<hbm>>) target_semaphore(%run_scoped3A : memref<!tpu.dma_semaphore, #tpu.memory_space<semaphore_mem>>)
      %dma_wait3A_74 = arith.constant 0 : i32
      %dma_wait3A_75 = tpu.memref_slice %arg6[%mul3A_2, %dma_wait3A_74] : memref<2048x768xf32, #tpu.memory_space<hbm>> -> memref<64x768xf32, #tpu.memory_space<hbm>>
      %dma_wait3A_76 = arith.constant 0 : i32
      %dma_wait3A_77 = tpu.memref_slice %arg6[%mul3A_2, %dma_wait3A_76] : memref<2048x768xf32, #tpu.memory_space<hbm>> -> memref<64x768xf32, #tpu.memory_space<hbm>>
      tpu.wait_dma2 semaphore(%run_scoped3A : memref<!tpu.dma_semaphore, #tpu.memory_space<semaphore_mem>>) src(%arg10 : memref<64x768xf32, #tpu.memory_space<vmem>>) dst(%dma_wait3A_77 : memref<64x768xf32, #tpu.memory_space<hbm>>)
      tpu.yield
    }) : () -> ()
    return
  }
}

module attributes {stable_mosaic.version = 14 : i64} {
  func.func @body(%arg0: i32, %arg1: memref<512x768xf32, #tpu.memory_space<vmem>>, %arg2: memref<2048x768xf32, #tpu.memory_space<vmem>>, %arg3: memref<512x2048xi8, #tpu.memory_space<vmem>>, %arg4: memref<1x1xf32, #tpu.memory_space<smem>>, %arg5: memref<1x1xf32, #tpu.memory_space<smem>>, %arg6: memref<2048x768xf32, #tpu.memory_space<vmem>>) attributes {dimension_semantics = [#tpu.dimension_semantics<arbitrary>], iteration_bounds = array<i64: 4>, scalar_prefetch = 0 : i64, scratch_operands = 1 : i64, tpu.core_type = #tpu.core_type<tc>, window_params = [{transform_indices = @transform_0, window_bounds = array<i64: 512, 768>}, {pipeline_mode = #tpu.pipeline_mode<synchronous>, transform_indices = @transform_1, window_bounds = array<i64: 2048, 768>}, {transform_indices = @transform_2, window_bounds = array<i64: 512, 2048>}, {transform_indices = @transform_3, window_bounds = array<i64: 1, 1>}, {transform_indices = @transform_4, window_bounds = array<i64: 1, 1>}]} {
    %eq3A = arith.constant 0 : i32
    %eq3A_0 = arith.cmpi eq, %arg0, %eq3A : i32
    %convert_element_type3A = arith.extui %eq3A_0 : i1 to i32
    %cond3A = arith.constant 0 : i32
    %cond3A_1 = arith.cmpi ne, %convert_element_type3A, %cond3A : i32
    scf.if %cond3A_1 {
      %get3A_82 = arith.constant 0 : index
      %get3A_83 = arith.constant 0 : index
      %get3A_84 = vector.load %arg2[%get3A_82, %get3A_83] : memref<2048x768xf32, #tpu.memory_space<vmem>>, vector<2048x768xf32>
      %mul3A_85 = arith.mulf %get3A_84, %get3A_84 : vector<2048x768xf32>
      %reduce_sum3A_86 = arith.constant dense<0.000000e+00> : vector<2048xf32>
      %reduce_sum3A_87 = vector.multi_reduction <add>, %mul3A_85, %reduce_sum3A_86 [1] : vector<2048x768xf32> to vector<2048xf32>
      %broadcast_in_dim3A_88 = vector.shape_cast %reduce_sum3A_87 : vector<2048xf32> to vector<2048x1xf32>
      %sqrt3A_89 = math.sqrt %broadcast_in_dim3A_88 : vector<2048x1xf32>
      %max3A_90 = arith.constant 9.99999996E-13 : f32
      %max3A_91 = vector.broadcast %max3A_90 : f32 to vector<2048x1xf32>
      %max3A_92 = arith.maximumf %sqrt3A_89, %max3A_91 : vector<2048x1xf32>
      %div3A_93 = vector.broadcast %max3A_92 : vector<2048x1xf32> to vector<2048x768xf32>
      %div3A_94 = arith.divf %get3A_84, %div3A_93 : vector<2048x768xf32>
      %swap3A_95 = arith.constant 0 : index
      %swap3A_96 = arith.constant 0 : index
      %swap3A_97 = vector.load %arg6[%swap3A_95, %swap3A_96] : memref<2048x768xf32, #tpu.memory_space<vmem>>, vector<2048x768xf32>
      tpu.vector_store %arg6[%swap3A_95, %swap3A_96], %div3A_94 {strides = array<i32>} : memref<2048x768xf32, #tpu.memory_space<vmem>>, vector<2048x768xf32>,
      %swap3A_98 = arith.constant 0.000000e+00 : f32
      %swap3A_99 = arith.constant 0 : index
      %swap3A_100 = arith.constant 0 : index
      %swap3A_101 = memref.load %arg4[%swap3A_99, %swap3A_100] : memref<1x1xf32, #tpu.memory_space<smem>>
      memref.store %swap3A_98, %arg4[%swap3A_99, %swap3A_100] : memref<1x1xf32, #tpu.memory_space<smem>>
      %swap3A_102 = arith.constant 0.000000e+00 : f32
      %swap3A_103 = arith.constant 0 : index
      %swap3A_104 = arith.constant 0 : index
      %swap3A_105 = memref.load %arg5[%swap3A_103, %swap3A_104] : memref<1x1xf32, #tpu.memory_space<smem>>
      memref.store %swap3A_102, %arg5[%swap3A_103, %swap3A_104] : memref<1x1xf32, #tpu.memory_space<smem>>
    } else {
    }
    %get3A = arith.constant 0 : index
    %get3A_2 = arith.constant 0 : index
    %get3A_3 = vector.load %arg1[%get3A, %get3A_2] : memref<512x768xf32, #tpu.memory_space<vmem>>, vector<512x768xf32>
    %mul3A = arith.mulf %get3A_3, %get3A_3 : vector<512x768xf32>
    %reduce_sum3A = arith.constant dense<0.000000e+00> : vector<512xf32>
    %reduce_sum3A_4 = vector.multi_reduction <add>, %mul3A, %reduce_sum3A [1] : vector<512x768xf32> to vector<512xf32>
    %broadcast_in_dim3A = vector.shape_cast %reduce_sum3A_4 : vector<512xf32> to vector<512x1xf32>
    %sqrt3A = math.sqrt %broadcast_in_dim3A : vector<512x1xf32>
    %max3A = arith.constant 9.99999996E-13 : f32
    %max3A_5 = vector.broadcast %max3A : f32 to vector<512x1xf32>
    %max3A_6 = arith.maximumf %sqrt3A, %max3A_5 : vector<512x1xf32>
    %mul3A_7 = arith.constant 1.000000e-01 : f32
    %mul3A_8 = vector.broadcast %mul3A_7 : f32 to vector<512x1xf32>
    %mul3A_9 = arith.mulf %max3A_6, %mul3A_8 : vector<512x1xf32>
    %div3A = vector.broadcast %mul3A_9 : vector<512x1xf32> to vector<512x768xf32>
    %div3A_10 = arith.divf %get3A_3, %div3A : vector<512x768xf32>
    %get3A_11 = arith.constant 0 : index
    %get3A_12 = arith.constant 0 : index
    %get3A_13 = vector.load %arg6[%get3A_11, %get3A_12] : memref<2048x768xf32, #tpu.memory_space<vmem>>, vector<2048x768xf32>
    %dot_general3A = arith.constant dense<0.000000e+00> : vector<512x2048xf32>
    %dot_general3A_14 = tpu.matmul %div3A_10, %get3A_13, %dot_general3A {dimension_numbers = #tpu.dot_dimension_numbers<[1], [1], [0], [0], [0, 0, 1, 0], [], []>, transpose_lhs_hint = false} : vector<512x768xf32>, vector<2048x768xf32>, vector<512x2048xf32> -> vector<512x2048xf32>
    %mul3A_15 = arith.constant 512 : i32
    %mul3A_16 = arith.muli %arg0, %mul3A_15 : i32
    %iota3A = tpu.iota {dimensions = array<i32: 0>} : vector<512x2048xi32>
    %add3A = vector.broadcast %mul3A_16 : i32 to vector<512x2048xi32>
    %add3A_17 = arith.addi %add3A, %iota3A : vector<512x2048xi32>
    %iota3A_18 = tpu.iota {dimensions = array<i32: 1>} : vector<512x2048xi32>
    %eq3A_19 = arith.cmpi eq, %add3A_17, %iota3A_18 : vector<512x2048xi32>
    %jit3A = arith.constant 0.000000e+00 : f32
    %broadcast_in_dim3A_20 = vector.broadcast %jit3A : f32 to vector<512x2048xf32>
    %select_n3A = arith.select %eq3A_19, %dot_general3A_14, %broadcast_in_dim3A_20 : vector<512x2048xi1>, vector<512x2048xf32>
    %reduce_sum3A_21 = arith.constant dense<0.000000e+00> : vector<512xf32>
    %reduce_sum3A_22 = vector.multi_reduction <add>, %select_n3A, %reduce_sum3A_21 [1] : vector<512x2048xf32> to vector<512xf32>
    %broadcast_in_dim3A_23 = vector.shape_cast %reduce_sum3A_22 : vector<512xf32> to vector<512x1xf32>
    %get3A_24 = arith.constant 0 : index
    %get3A_25 = arith.constant 0 : index
    %get3A_26 = vector.load %arg3[%get3A_24, %get3A_25] : memref<512x2048xi8, #tpu.memory_space<vmem>>, vector<512x2048xi8>
    %convert_element_type3A_27 = arith.sitofp %get3A_26 : vector<512x2048xi8> to vector<512x2048xf32>
    %sub3A = arith.constant 1.000000e+01 : f32
    %sub3A_28 = vector.broadcast %sub3A : f32 to vector<512x2048xf32>
    %sub3A_29 = arith.subf %dot_general3A_14, %sub3A_28 : vector<512x2048xf32>
    %exp3A = math.exp %sub3A_29 : vector<512x2048xf32>
    %mul3A_30 = arith.mulf %exp3A, %convert_element_type3A_27 : vector<512x2048xf32>
    %reduce_sum3A_31 = arith.constant dense<0.000000e+00> : vector<512xf32>
    %reduce_sum3A_32 = vector.multi_reduction <add>, %mul3A_30, %reduce_sum3A_31 [1] : vector<512x2048xf32> to vector<512xf32>
    %broadcast_in_dim3A_33 = vector.shape_cast %reduce_sum3A_32 : vector<512xf32> to vector<512x1xf32>
    %gt3A = vector.broadcast %broadcast_in_dim3A_23 : vector<512x1xf32> to vector<512x2048xf32>
    %gt3A_34 = arith.cmpf ogt, %dot_general3A_14, %gt3A : vector<512x2048xf32>
    %jit3A_35 = arith.constant 0.000000e+00 : f32
    %broadcast_in_dim3A_36 = vector.broadcast %jit3A_35 : f32 to vector<512x2048xf32>
    %select_n3A_37 = arith.select %gt3A_34, %convert_element_type3A_27, %broadcast_in_dim3A_36 : vector<512x2048xi1>, vector<512x2048xf32>
    %reduce_sum3A_38 = arith.constant dense<0.000000e+00> : vector<512xf32>
    %reduce_sum3A_39 = vector.multi_reduction <add>, %select_n3A_37, %reduce_sum3A_38 [1] : vector<512x2048xf32> to vector<512xf32>
    %broadcast_in_dim3A_40 = vector.shape_cast %reduce_sum3A_39 : vector<512xf32> to vector<512x1xf32>
    %sub3A_41 = arith.constant 1.000000e+01 : f32
    %sub3A_42 = vector.broadcast %sub3A_41 : f32 to vector<512x1xf32>
    %sub3A_43 = arith.subf %broadcast_in_dim3A_23, %sub3A_42 : vector<512x1xf32>
    %exp3A_44 = math.exp %sub3A_43 : vector<512x1xf32>
    %add3A_45 = arith.addf %broadcast_in_dim3A_33, %exp3A_44 : vector<512x1xf32>
    %log3A = math.log %add3A_45 : vector<512x1xf32>
    %add3A_46 = arith.constant 1.000000e+01 : f32
    %add3A_47 = vector.broadcast %add3A_46 : f32 to vector<512x1xf32>
    %add3A_48 = arith.addf %add3A_47, %log3A : vector<512x1xf32>
    %sub3A_49 = arith.subf %add3A_48, %broadcast_in_dim3A_23 : vector<512x1xf32>
    %eq3A_50 = arith.constant 0.000000e+00 : f32
    %eq3A_51 = vector.broadcast %eq3A_50 : f32 to vector<512x1xf32>
    %eq3A_52 = arith.cmpf oeq, %broadcast_in_dim3A_40, %eq3A_51 : vector<512x1xf32>
    %convert_element_type3A_53 = arith.extui %eq3A_52 : vector<512x1xi1> to vector<512x1xi32>
    %convert_element_type3A_54 = arith.sitofp %convert_element_type3A_53 : vector<512x1xi32> to vector<512x1xf32>
    %get3A_55 = arith.constant 0 : index
    %get3A_56 = arith.constant 0 : index
    %get3A_57 = memref.load %arg4[%get3A_55, %get3A_56] : memref<1x1xf32, #tpu.memory_space<smem>>
    %reduce_sum3A_58 = vector.shape_cast %sub3A_49 : vector<512x1xf32> to vector<1x512x1xf32>
    %reduce_sum3A_59 = arith.constant dense<0.000000e+00> : vector<1xf32>
    %reduce_sum3A_60 = vector.multi_reduction <add>, %reduce_sum3A_58, %reduce_sum3A_59 [1, 2] : vector<1x512x1xf32> to vector<1xf32>
    %reduce_sum3A_61 = vector.shape_cast %reduce_sum3A_60 : vector<1xf32> to vector<1x1x1xf32>
    %reduce_sum3A_62 = vector.extract %reduce_sum3A_61[0, 0, 0] : f32 from vector<1x1x1xf32>
    %mul3A_63 = arith.constant 4.8828125E-4 : f32
    %mul3A_64 = arith.mulf %reduce_sum3A_62, %mul3A_63 : f32
    %add3A_65 = arith.addf %get3A_57, %mul3A_64 : f32
    %swap3A = arith.constant 0 : index
    %swap3A_66 = arith.constant 0 : index
    %swap3A_67 = memref.load %arg4[%swap3A, %swap3A_66] : memref<1x1xf32, #tpu.memory_space<smem>>
    memref.store %add3A_65, %arg4[%swap3A, %swap3A_66] : memref<1x1xf32, #tpu.memory_space<smem>>
    %get3A_68 = arith.constant 0 : index
    %get3A_69 = arith.constant 0 : index
    %get3A_70 = memref.load %arg5[%get3A_68, %get3A_69] : memref<1x1xf32, #tpu.memory_space<smem>>
    %reduce_sum3A_71 = vector.shape_cast %convert_element_type3A_54 : vector<512x1xf32> to vector<1x512x1xf32>
    %reduce_sum3A_72 = arith.constant dense<0.000000e+00> : vector<1xf32>
    %reduce_sum3A_73 = vector.multi_reduction <add>, %reduce_sum3A_71, %reduce_sum3A_72 [1, 2] : vector<1x512x1xf32> to vector<1xf32>
    %reduce_sum3A_74 = vector.shape_cast %reduce_sum3A_73 : vector<1xf32> to vector<1x1x1xf32>
    %reduce_sum3A_75 = vector.extract %reduce_sum3A_74[0, 0, 0] : f32 from vector<1x1x1xf32>
    %mul3A_76 = arith.constant 4.8828125E-4 : f32
    %mul3A_77 = arith.mulf %reduce_sum3A_75, %mul3A_76 : f32
    %add3A_78 = arith.addf %get3A_70, %mul3A_77 : f32
    %swap3A_79 = arith.constant 0 : index
    %swap3A_80 = arith.constant 0 : index
    %swap3A_81 = memref.load %arg5[%swap3A_79, %swap3A_80] : memref<1x1xf32, #tpu.memory_space<smem>>
    memref.store %add3A_78, %arg5[%swap3A_79, %swap3A_80] : memref<1x1xf32, #tpu.memory_space<smem>>
    return
  }
  func.func @transform_0(%arg0: i32) -> (i32, i32) {
    %c0_i32 = arith.constant 0 : i32
    %c0_i32_0 = arith.constant 0 : i32
    return %arg0, %c0_i32 : i32, i32
  }
  func.func @transform_1(%arg0: i32) -> (i32, i32) {
    %c0_i32 = arith.constant 0 : i32
    %c0_i32_0 = arith.constant 0 : i32
    %c0_i32_1 = arith.constant 0 : i32
    return %c0_i32, %c0_i32_0 : i32, i32
  }
  func.func @transform_2(%arg0: i32) -> (i32, i32) {
    %c0_i32 = arith.constant 0 : i32
    %c0_i32_0 = arith.constant 0 : i32
    return %arg0, %c0_i32 : i32, i32
  }
  func.func @transform_3(%arg0: i32) -> (i32, i32) {
    %c0_i32 = arith.constant 0 : i32
    %c0_i32_0 = arith.constant 0 : i32
    %c0_i32_1 = arith.constant 0 : i32
    return %c0_i32, %c0_i32_0 : i32, i32
  }
  func.func @transform_4(%arg0: i32) -> (i32, i32) {
    %c0_i32 = arith.constant 0 : i32
    %c0_i32_0 = arith.constant 0 : i32
    %c0_i32_1 = arith.constant 0 : i32
    return %c0_i32, %c0_i32_0 : i32, i32
  }
}

</mosaic_0001>

<sc_bundles>
// kernel: kernel.4.cloned.1.call-start
scs
__scs_entry_jumppad:
0x0: {  	(pc) =	sbr.rel $0x88, $3  }
0x1: {  	(tag) =	ssettag $0x0;
	lr =	simm.s32 $0x1  }
0x2: {  	[smem:$0x3F9E] =	sst lr;
	_ =	strace $0xD0000000  }
0x3: {  	_ = 	snop  }
0x4: {  	_ = 	snop  }
0x5: {  	_ = 	snop  }
0x6: {  	_ = 	snop  }
0x7: {  	_ = 	snop  }
__scs_overlays_trampoline_lowered:
0x8: {  	[smem:$0x3FAD] =	sst s0  }
0x9: {  	[smem:$0x3FAE] =	sst s1  }
0xa: {  	[smem:$0x3FAF] =	sst s2  }
0xb: {  	[smem:$0x3FB0] =	sst s3  }
0xc: {  	[smem:$0x3FB1] =	sst s4  }
0xd: {  	[smem:$0x3FB2] =	sst s5  }
0xe: {  	[smem:$0x3FB3] =	sst s6  }
0xf: {  	[smem:$0x3FB4] =	sst s7  }
0x10: {  	[smem:$0x3FB5] =	sst s8  }
0x11: {  	[smem:$0x3FB6] =	sst s9;
	s0 =	simm.s32 @!p0 $0x0  }
0x12: {  	s1 =	sld [smem:$0x3F9C];
	s0 =	simm.s32 @p0 $0x1  }
0x13: {  	[smem:$0x3FB7] =	sst s0;
	s0 =	simm.s32 @!p1 $0x0  }
0x14: {  	s2 =	sld [smem:$0x3F9B];
	s0 =	simm.s32 @p1 $0x1  }
0x15: {  	[smem:$0x3FB8] =	sst s0;
	s0 =	simm.s32 @!p2 $0x0  }
0x16: {  	s3 =	sld [smem:$0x3FDB];
	s0 =	simm.s32 @p2 $0x1  }
0x17: {  	s4 =	simm.s32 $0x1BF5;
	[smem:$0x3FBA] =	sst s0  }
0x18: {  	s0 =	sld [smem:$0x3F9D];
	_ =	swait.ge [sflag:s4], $0x0  }
0x19: {  	s7 =	sld [smem:$0x3F9E]  }
0x1a: {  	s8 =	sadd.s32 $0xFFFFE003, lr  }
0x1b: {  	s9 =	sadd.s32 $0xFFFFFEF7, lr;
	s5 =	simm.s32 $0xFFFFFFFF;
	p2 =	slt.u32 s8, $0xFFFFF086  }
0x1c: {  	p1 =	slt.u32 s9, $0xF7A;
	s5 =	simm.s32 @!p2 $0x0  }
0x1d: {  	s5 =	simm.s32 @p1 $0x1;
	p0 =	seq.s32 s7, s2  }
0x1e: {  	s7 =	smul.u32 @!p0 $0xF7A, s2;
	p2 =	seq.s32 @!p0 s5, $0x0  }
0x1f: {  	s9 =	smul.u32 $0xF7A, s1;
	s8 =	simm.s32 @!p0 $0x1BF5;
	p2 =	por !p2, p0  }
0x20: {  	[sflag:s8] =	ssyncset.s32 @!p0 $0xFFFFF086;
	s6 =	sadd.s32 @!p0 s3, s7;
	s7 =	simm.s32 @!p0 $0x108  }
0x21: {  	s3 =	sadd.s32 s3, s9;
	s6 =	sadd.s32 @!p0 $0x88, s6;
	s7 =	simm.s32 @p2 $0x1082  }
0x22: {  	[simem:s7], [sflag:s8] =	dma.local @!p0 [hbm:s6], $0xF7A  }
0x23: {  	s9 =	sor.u32 $0xD0000000, s2;
	s6 =	simm.s32 $0x108;
	_ =	swait.ge @!p0 [sflag:s8], $0x0  }
0x24: {  	s3 =	sadd.s32 $0x88, s3;
	s6 =	simm.s32 @!p1 $0x1082;
	[sflag:s4] =	ssyncset.s32 $0xFFFFF086  }
0x25: {  	[simem:s6], [sflag:s4] =	dma.local [hbm:s3], $0xF7A  }
0x26: {  	[smem:$0x3F9E] =	sst s1;
	(tag) =	ssettag s2;
	_ =	strace s9  }
0x27: {  	s1 =	sld [smem:$0x3FAE]  }
0x28: {  	s2 =	sld [smem:$0x3FAF]  }
0x29: {  	s4 =	sld [smem:$0x3FB1]  }
0x2a: {  	p0 =	seq.s32 s5, $0x0;
	s5 =	sld [smem:$0x3FB2]  }
0x2b: {  	s6 =	sld [smem:$0x3FB3]  }
0x2c: {  	s7 =	sld [smem:$0x3FB4]  }
0x2d: {  	s3 =	simm.s32 $0x108;
	s8 =	sld [smem:$0x3FB5]  }
0x2e: {  	s3 =	simm.s32 @!p0 $0x1082;
	s9 =	sld [smem:$0x3FB6]  }
0x2f: {  	lr =	sadd.s32 s0, s3;
	s0 =	sld [smem:$0x3FAD]  }
0x30: {  	s3 =	sld [smem:$0x3FB0]  }
0x31: {  	[smem:$0x3FB9] =	sst s10  }
0x32: {  	s10 =	sld [smem:$0x3FB7];
	_ =	sdelay $0x3  }
0x33: {  	p0 =	seq.s32 s10, $0x1;
	s10 =	sld [smem:$0x3FB9];
	_ =	sdelay $0x3  }
0x34: {  	[smem:$0x3FB9] =	sst s10  }
0x35: {  	s10 =	sld [smem:$0x3FB8];
	_ =	sdelay $0x3  }
0x36: {  	p1 =	seq.s32 s10, $0x1;
	s10 =	sld [smem:$0x3FB9];
	_ =	sdelay $0x3  }
0x37: {  	[smem:$0x3FB9] =	sst s10  }
0x38: {  	s10 =	sld [smem:$0x3FBA]  }
0x39: {  	_ = 	snop;
	(pc) =	sbr.ind lr, $3  }
0x3a: {  	_ = 	snop  }
0x3b: {  	_ = 	snop  }
0x3c: {  	p2 =	seq.s32 s10, $0x1;
	s10 =	sld [smem:$0x3FB9]  }
0x3d: {  	_ =	shalt  }
0x3e: {  	_ =	shalt  }
0x3f: {  	_ =	shalt  }
0x40: {  	_ =	shalt  }
0x41: {  	_ =	shalt  }
0x42: {  	_ =	shalt  }
0x43: {  	_ =	shalt  }
0x44: {  	_ =	shalt  }
0x45: {  	_ =	shalt  }
0x46: {  	_ =	shalt  }
0x47: {  	_ =	shalt  }
0x48: {  	_ =	shalt  }
0x49: {  	_ =	shalt  }
0x4a: {  	_ =	shalt  }
0x4b: {  	_ =	shalt  }
0x4c: {  	_ =	shalt  }
0x4d: {  	_ =	shalt  }
0x4e: {  	_ =	shalt  }
0x4f: {  	_ =	shalt  }
0x50: {  	_ =	shalt  }
0x51: {  	_ =	shalt  }
0x52: {  	_ =	shalt  }
0x53: {  	_ =	shalt  }
0x54: {  	_ =	shalt  }
0x55: {  	_ =	shalt  }
0x56: {  	_ =	shalt  }
0x57: {  	_ =	shalt  }
0x58: {  	_ =	shalt  }
0x59: {  	_ =	shalt  }
0x5a: {  	_ =	shalt  }
0x5b: {  	_ =	shalt  }
0x5c: {  	_ =	shalt  }
0x5d: {  	_ =	shalt  }
0x5e: {  	_ =	shalt  }
0x5f: {  	_ =	shalt  }
0x60: {  	_ =	shalt  }
0x61: {  	_ =	shalt  }
0x62: {  	_ =	shalt  }
0x63: {  	_ =	shalt  }
0x64: {  	_ =	shalt  }
0x65: {  	_ =	shalt  }
0x66: {  	_ =	shalt  }
0x67: {  	_ =	shalt  }
0x68: {  	_ =	shalt  }
0x69: {  	_ =	shalt  }
0x6a: {  	_ =	shalt  }
0x6b: {  	_ =	shalt  }
0x6c: {  	_ =	shalt  }
0x6d: {  	_ =	shalt  }
0x6e: {  	_ =	shalt  }
0x6f: {  	_ =	shalt  }
0x70: {  	_ =	shalt  }
0x71: {  	_ =	shalt  }
0x72: {  	_ =	shalt  }
0x73: {  	_ =	shalt  }
0x74: {  	_ =	shalt  }
0x75: {  	_ =	shalt  }
0x76: {  	_ =	shalt  }
0x77: {  	_ =	shalt  }
0x78: {  	_ =	shalt  }
0x79: {  	_ =	shalt  }
0x7a: {  	_ =	shalt  }
0x7b: {  	_ =	shalt  }
0x7c: {  	_ =	shalt  }
0x7d: {  	_ =	shalt  }
0x7e: {  	_ =	shalt  }
0x7f: {  	_ =	shalt  }
0x80: {  	_ =	shalt  }
0x81: {  	_ =	shalt  }
0x82: {  	_ =	shalt  }
0x83: {  	_ =	shalt  }
0x84: {  	_ =	shalt  }
0x85: {  	_ =	shalt  }
0x86: {  	_ =	shalt  }
0x87: {  	_ =	shalt  }
.Lfunc_end0:
.L_simem_size_0:
called_computation_lowered:
.L_overlay_start_0:
0x88: {  	s2 =	sld [smem:$0x3FD9]  }
0x89: {  	s3 =	sld [smem:$0x3FFE];
	_ =	sdelay $0x1  }
0x8a: {  	s1 =	srdreg.scid  }
0x8b: {  	s0 =	sand.u32 $0x1, s1  }
0x8c: {  	s17 =	sshll.u32 s0, $0xA;
	s2 =	sadd.s32 s3, s2  }
0x8d: {  	s2 =	sadd.s32 s2, s17  }
0x8e: {  	[smem:$0x3FC5] =	sst s2  }
0x8f: {  	_ = 	snop  }
0x90: {  	s2 =	sld [smem:$0x3FC9]  }
0x91: {  	s18 =	sld [smem:$0x3FC8];
	(tm) =	ssettm $0x1  }
0x92: {  	s4 =	sld [smem:$0x3FFB];
	_ =	sdelay $0x3  }
0x93: {  	_ =	strace s4  }
0x94: {  	s4 =	sld [smem:$0x3FFC];
	_ =	sdelay $0x3  }
0x95: {  	_ =	strace s4  }
0x96: {  	s4 =	sld [smem:$0x3FFD];
	_ =	sdelay $0x3  }
0x97: {  	_ =	strace s4  }
0x98: {  	_ =	strace $0x8FFFFFFF  }
0x99: {  	s19 =	sld [smem:$0x3FDB];
	_ =	sdelay $0x1  }
0x9a: {  	s5 =	simm.s32 $_scs_section_size  }
0x9b: {  	s6 =	simm.s32 $_size__tile_overlayer_lowered;
	s7 =	simm.s32 $_tile_overlayer_lowered  }
0x9c: {  	s22 =	simm.s32 $0x1BFF;
	s21 =	sshll.u32 s7, $0x1;
	s4 =	sadd.s32 s5, s19  }
0x9d: {  	s8 =	simm.s32 $0x0;
	s20 =	sshll.u32 s6, $0x1;
	s6 =	sadd.s32 s21, s4  }
0x9e: {  	[timem:s8], [sflag:s22] =	dma.local [hbm:s6], s20  }
0x9f: {  	_ =	swait.ge [sflag:s22], s20  }
0xa0: {  	s5 =	ssub.s32 $0x0, s20;
	[sflag:s22] =	ssyncset.done $0x0  }
0xa1: {  	[sflag:s22] =	ssyncadd.s32 s5;
	_ =	sdelay $0x1  }
0xa2: {  	s23 =	simm.s32 $0x1B8B  }
0xa3: {  	_ =	swait.ge [sflag:s23], $0x1  }
0xa4: {  	[sflag:s23] =	ssyncset.done $0x0  }
0xa5: {  	s25 =	simm.s32 $0x1B8E;
	s24 =	sld [smem:$0x3FFE];
	[sflag:s23] =	ssyncadd.s32 $0xFFFFFFFF  }
0xa6: {  	s26 =	simm.s32 $execute0_lowered;
	[smem:$0x3FD2] =	sst s25  }
0xa7: {  	s6 =	sshll.u32 s26, $0x1;
	_ =	strace $0x80000046;
	[dreg:$0x1] =	wrdreg $0xFFFFFFFF  }
0xa8: {  	s28 =	simm.s32 $_size_execute0_lowered;
	s4 =	sadd.s32 s4, s6;
	[dreg:$0x0] =	wrdreg $0x0  }
0xa9: {  	s6 =	sshll.u32 s28, $0x1;
	[dreg:$0x2] =	wrdreg s4  }
0xaa: {  	[dreg:$0x3] =	wrdreg s6  }
0xab: {  	[dreg:$0x4] =	wrdreg $0xC0  }
0xac: {  	_ =	task [dreg:s8], $0x5FFFF  }
0xad: {  	[dreg:$0x1] =	wrdreg $0xFFFFFFFF  }
0xae: {  	[dreg:$0x0] =	wrdreg $0x60  }
0xaf: {  	[dreg:$0x2] =	wrdreg s18  }
0xb0: {  	[dreg:$0x3] =	wrdreg s2  }
0xb1: {  	[dreg:$0x4] =	wrdreg s24  }
0xb2: {  	[dreg:$0x5] =	wrdreg $0x9  }
0xb3: {  	_ =	task.clear_ibuf [dreg:s8], $0x6FFFF;
	_ =	strace $0x90000046  }
0xb4: {  	s29 =	simm.s32 $0x9;
	_ =	strace $0x80000048  }
0xb5: {  	_ =	swait.ge [sflag:s29], $0x1  }
0xb6: {  	[sflag:s29] =	ssyncadd.s32 $0xFFFFFFFF  }
0xb7: {  	_ =	strace $0x90000048  }
0xb8: {  	_ =	sfence  }
0xb9: {  	s30 =	sld [smem:$0x0];
	_ =	sdelay $0x2  }
0xba: {  	s31 =	sshll.u32 s1, $0xD;
	s1 =	sshrl.u32 s1, $0x2  }
0xbb: {  	s3 =	sand.u32 $0x4000, s31;
	s1 =	sadd.s32 s1, s30  }
0xbc: {  	s0 =	sor.u32 s3, s0;
	s1 =	sshll.u32 s1, $0x11  }
0xbd: {  	s0 =	sor.u32 s1, s0  }
0xbe: {  	s0 =	sadd.s32 $0x8F2B, s0  }
0xbf: {  	[sflag:s0] =	ssyncadd.remote.s32 $0x1  }
0xc0: {  	_ =	sfence.sel $0xFFFF  }
0xc1: {  	[dreg:$0x0] =	wrdreg $0xFFFFFFFF;
	(pc) =	sbr.abs _section_cstart, $3  }
0xc2: {  	[dreg:$0x1] =	wrdreg $0xFFFFFFFF  }
0xc3: {  	_ =	task.clear_ibuf [dreg:s8], $0x2FFFF;
	_ =	strace $0x9FFFFFFF  }
0xc4: {  	(tm) =	ssettm $0x7FFFFFFF  }
0xc5: {  	_ =	shalt  }
tec
execute0_lowered:
.L_overlay_start_1:
0x0: {  	(tag) =	ssettag $0x1  }
0x1: {  	s2 =	srdreg.scid  }
0x2: {  	s1 =	rddreg [dreg:$0x0];
	s0 =	stileid.u32;
	s2 =	sand.u32 $0x1, s2  }
0x3: {  	s3 =	rddreg [dreg:$0x1];
	s4 =	sshll.u32 s0, $0x7;
	s5 =	sshll.u32 s2, $0x6  }
0x4: {  	s6 =	rddreg [dreg:$0x2];
	s5 =	sor.u32 s5, s4;
	s4 =	simm.s32 $0x0  }
0x5: {  	s22 =	simm.s32 $0x2880;
	[smem:$0x7FF] =	sst s4  }
0x6: {  	s23 =	simm.s32 $0x3080;
	_ =	strace $0x80000047;
	[dreg:$0x7] =	wrdreg s22  }
0x7: {  	s24 =	simm.s32 $0x3880;
	[dreg:$0x8] =	wrdreg s23  }
0x8: {  	s25 =	simm.s32 $0x4080;
	[dreg:$0x9] =	wrdreg s24  }
0x9: {  	s26 =	simm.s32 $0x4880;
	[dreg:$0xa] =	wrdreg s25  }
0xa: {  	s0 =	simm.s32 $0x5080;
	[dreg:$0xb] =	wrdreg s26  }
0xb: {  	s8 =	simm.s32 $0x6880;
	[dreg:$0xc] =	wrdreg s0  }
0xc: {  	s9 =	simm.s32 $0x7080;
	[dreg:$0xf] =	wrdreg s8  }
0xd: {  	s10 =	simm.s32 $0x7880;
	[dreg:$0x10] =	wrdreg s9  }
0xe: {  	s11 =	simm.s32 $0x8080;
	s12 =	simm.s32 $0x8880;
	[dreg:$0x11] =	wrdreg s10  }
0xf: {  	s13 =	simm.s32 $0x9080;
	s14 =	simm.s32 $0x9880;
	[dreg:$0x12] =	wrdreg s11  }
0x10: {  	s15 =	simm.s32 $0xA080;
	s16 =	simm.s32 $0xA880;
	[dreg:$0x13] =	wrdreg s12  }
0x11: {  	s17 =	simm.s32 $0xB080;
	s18 =	simm.s32 $0xB880;
	[dreg:$0x14] =	wrdreg s13  }
0x12: {  	s19 =	simm.s32 $0xC080;
	s28 =	simm.s32 $0x18880;
	[dreg:$0x15] =	wrdreg s14  }
0x13: {  	s29 =	simm.s32 $0x19080;
	s30 =	simm.s32 $0x19880;
	[dreg:$0x16] =	wrdreg s15  }
0x14: {  	s31 =	simm.s32 $0x1;
	s2 =	ssub.s32 $0x2, s2;
	[dreg:$0x17] =	wrdreg s16  }
0x15: {  	s7 =	sshrl.u32 s5, $0x3;
	s5 =	sshll.u32 s5, $0x4;
	[dreg:$0x18] =	wrdreg s17  }
0x16: {  	s7 =	smul.u32 $0x300, s7;
	s5 =	sadd.s32 s5, s6;
	[dreg:$0x19] =	wrdreg s18  }
0x17: {  	[dreg:$0x1a] =	wrdreg s19;
	s22 =	simm.s32 $0xD080;
	s23 =	simm.s32 $0xD880  }
0x18: {  	s8 =	simm.s32 $0xE880;
	s9 =	simm.s32 $0xF080;
	s10 =	simm.s32 $0xF880  }
0x19: {  	s24 =	simm.s32 $0x10080;
	s25 =	simm.s32 $0x10880;
	[dreg:$0x1c] =	wrdreg s22  }
0x1a: {  	s11 =	simm.s32 $0x2080;
	s26 =	simm.s32 $0x11080;
	[dreg:$0x1d] =	wrdreg s23  }
0x1b: {  	s12 =	simm.s32 $0xE080;
	s14 =	simm.s32 $0x12080;
	[dreg:$0x1e] =	wrdreg s8  }
0x1c: {  	s15 =	simm.s32 $0x12880;
	s16 =	simm.s32 $0x13080;
	[dreg:$0x1f] =	wrdreg s9  }
0x1d: {  	s17 =	simm.s32 $0x13880;
	s18 =	simm.s32 $0x14080;
	[smem:$0x7FA] =	sst s10  }
0x1e: {  	s19 =	simm.s32 $0x14880;
	s5 =	sadd.s32 $0x1000, s5;
	[smem:$0x7FB] =	sst s24  }
0x1f: {  	s8 =	sadd.s32 $0x200, s3;
	s10 =	simm.s32 $0x3;
	[smem:$0x7FC] =	sst s25  }
0x20: {  	[smem:$0x7FD] =	sst s26;
	s22 =	simm.s32 $0x16080;
	s23 =	simm.s32 $0x16880  }
0x21: {  	s6 =	sadd.s32 s7, s6;
	[dreg:$0x4] =	wrdreg s5;
	s7 =	simm.s32 $0x6080  }
0x22: {  	s24 =	simm.s32 $0x17080;
	s20 =	sadd.s32 $0x9000, s6;
	[dreg:$0xe] =	wrdreg s7  }
0x23: {  	v10 =	vlaneseq.u32;
	s25 =	simm.s32 $0x17880;
	s21 =	sadd.s32 $0x39000, s6;
	[dreg:$0x5] =	wrdreg s20  }
0x24: {  	v0 =	vmul.u32 $0x80, v10;
	s26 =	simm.s32 $0x18080;
	s6 =	simm.s32 $0x5880;
	[dreg:$0x6] =	wrdreg s21  }
0x25: {  	vm0 =	vmmov $0xffff;
	v9 =	vshrl.u32 v10, $0x3;
	v8 =	vand.u32 $0x7, v10;
	s5 =	sadd.s32 $0x100, s1;
	s7 =	sadd.s32 $0x100, s3;
	[dreg:$0xd] =	wrdreg s6  }
0x26: {  	v10 =	vor.u32 $0x8, v10;
	v9 =	vmul.u32 $0x8, v9;
	v1 =	vor.u32 $0x1, v0;
	s20 =	sshrl.u32 s2, $0x1;
	s21 =	simm.s32 $0xC880;
	s6 =	sadd.s32 $0x200, s1  }
0x27: {  	v2 =	vor.u32 $0x800, v0;
	v3 =	vor.u32 $0x801, v0;
	v4 =	vor.u32 $0x1000, v0;
	s2 =	ssub.s32 s2, s20;
	[dreg:$0x1b] =	wrdreg s21;
	s20 =	simm.s32 $0x15080  }
0x28: {  	v5 =	vor.u32 $0x1001, v0;
	v6 =	vor.u32 $0x1800, v0;
	v7 =	vor.u32 $0x1801, v0;
	s21 =	simm.s32 $0x15880;
	s9 =	smax.u32 s2, $0x1;
	s2 =	simm.s32 $0x2  }
.LBB2_1:
0x29: {  	s0 =	rddreg [dreg:$0x4]  }
0x2a: {  	[tilespmem:s4], [sflag:$0x3] =	stream.linear.gather [hbm4b:s0+s4], $0x2000, $0x38;
	[tilespmem:$0x1A080] =	vst v63  }
0x2b: {  	_ =	swait.ge [sflag:s10], $0x2000  }
0x2c: {  	[sflag:s10] =	ssyncset.done $0x0  }
0x2d: {  	[sflag:s10] =	ssyncadd.s32 $0xFFFFE000  }
0x2e: {  	v11 =	vld.idx.msk [tilespmem:v0+s4+$0x0], $0xffff  }
0x2f: {  	v12 =	vld.idx.msk [tilespmem:v1+s4+$0x0], $0xffff;
	_ =	sdelay $0x3  }
0x30: {  	v11 =	vshll.u32 v11, $0xB  }
0x31: {  	v11 =	vadd.s32 v12, v11  }
0x32: {  	[tilespmem:$0x2000] =	vst v11  }
0x33: {  	v13 =	vld.idx.msk [tilespmem:v2+s4+$0x0], $0xffff  }
0x34: {  	v14 =	vld.idx.msk [tilespmem:v3+s4+$0x0], $0xffff;
	_ =	sdelay $0x3  }
0x35: {  	v13 =	vshll.u32 v13, $0xB  }
0x36: {  	v13 =	vadd.s32 v14, v13  }
0x37: {  	[tilespmem:$0x2010] =	vst v13  }
0x38: {  	v13 =	vld.idx.msk [tilespmem:v4+s4+$0x0], $0xffff  }
0x39: {  	v54 =	vld.idx.msk [tilespmem:v5+s4+$0x0], $0xffff;
	_ =	sdelay $0x3  }
0x3a: {  	v11 =	vshrl.u32 v11, $0x3;
	v13 =	vshll.u32 v13, $0xB  }
0x3b: {  	v11 =	vmul.u32 $0x30, v11;
	v13 =	vadd.s32 v54, v13  }
0x3c: {  	v12 =	vand.u32 $0x7, v12;
	[tilespmem:$0x2020] =	vst v13  }
0x3d: {  	v11 =	vor.u32 v12, v11;
	v13 =	vld.idx.msk [tilespmem:v6+s4+$0x0], $0xffff  }
0x3e: {  	v56 =	vperm.xlane v11, v8;
	v55 =	vld.idx.msk [tilespmem:v7+s4+$0x0], $0xffff;
	_ =	sdelay $0x1  }
0x3f: {  	v14 =	vadd.s32 v9, v56;
	_ =	sdelay $0x1  }
0x40: {  	v13 =	vshll.u32 v13, $0xB  }
0x41: {  	v12 =	vadd.s32 v55, v13  }
0x42: {  	v11 =	vperm.xlane v11, v10;
	[tilespmem:$0x2030] =	vst v12  }
0x43: {  	[tilespmem:s11], [sflag:$0x1] =	stream.indirect_vreg.gather [hbm4b:s1+s4], $0x80, v14, vm0, $0xb8;
	[tilespmem:$0x1A080] =	vst v63  }
0x44: {  	s0 =	rddreg [dreg:$0x7];
	v11 =	vadd.s32 v9, v11  }
0x45: {  	[tilespmem:s0], [sflag:$0x1] =	stream.indirect_vreg.gather [hbm4b:s5+s4], $0x80, v14, vm0, $0xb8;
	[tilespmem:$0x1A080] =	vst v63  }
0x46: {  	s13 =	rddreg [dreg:$0x8]  }
0x47: {  	[tilespmem:s13], [sflag:$0x1] =	stream.indirect_vreg.gather [hbm4b:s6+s4], $0x80, v14, vm0, $0xb8;
	[tilespmem:$0x1A080] =	vst v63  }
0x48: {  	s0 =	rddreg [dreg:$0x9]  }
0x49: {  	[tilespmem:s0], [sflag:$0x1] =	stream.indirect_vreg.gather [hbm4b:s1+s4], $0x80, v11, vm0, $0xb8;
	[tilespmem:$0x1A080] =	vst v63  }
0x4a: {  	s13 =	rddreg [dreg:$0xa]  }
0x4b: {  	[tilespmem:s13], [sflag:$0x1] =	stream.indirect_vreg.gather [hbm4b:s5+s4], $0x80, v11, vm0, $0xb8;
	[tilespmem:$0x1A080] =	vst v63  }
0x4c: {  	s0 =	rddreg [dreg:$0xb]  }
0x4d: {  	[tilespmem:s0], [sflag:$0x1] =	stream.indirect_vreg.gather [hbm4b:s6+s4], $0x80, v11, vm0, $0xb8;
	[tilespmem:$0x1A080] =	vst v63  }
0x4e: {  	v11 =	vld [tilespmem:$0x2010];
	_ =	sdelay $0x4  }
0x4f: {  	v57 =	vshrl.u32 v11, $0x3  }
0x50: {  	v12 =	vmul.u32 $0x30, v57  }
0x51: {  	v11 =	vand.u32 $0x7, v11  }
0x52: {  	v11 =	vor.u32 v11, v12  }
0x53: {  	v12 =	vperm.xlane v11, v8;
	_ =	sdelay $0x1  }
0x54: {  	v12 =	vadd.s32 v9, v12;
	_ =	sdelay $0x3  }
0x55: {  	s0 =	rddreg [dreg:$0xc];
	v11 =	vperm.xlane v11, v10  }
0x56: {  	[tilespmem:s0], [sflag:$0x1] =	stream.indirect_vreg.gather [hbm4b:s1+s4], $0x80, v12, vm0, $0xb8;
	[tilespmem:$0x1A080] =	vst v63  }
0x57: {  	s13 =	rddreg [dreg:$0xd];
	v11 =	vadd.s32 v9, v11  }
0x58: {  	[tilespmem:s13], [sflag:$0x1] =	stream.indirect_vreg.gather [hbm4b:s5+s4], $0x80, v12, vm0, $0xb8;
	[tilespmem:$0x1A080] =	vst v63  }
0x59: {  	s0 =	rddreg [dreg:$0xe]  }
0x5a: {  	[tilespmem:s0], [sflag:$0x1] =	stream.indirect_vreg.gather [hbm4b:s6+s4], $0x80, v12, vm0, $0xb8;
	[tilespmem:$0x1A080] =	vst v63  }
0x5b: {  	s13 =	rddreg [dreg:$0xf]  }
0x5c: {  	[tilespmem:s13], [sflag:$0x1] =	stream.indirect_vreg.gather [hbm4b:s1+s4], $0x80, v11, vm0, $0xb8;
	[tilespmem:$0x1A080] =	vst v63  }
0x5d: {  	s0 =	rddreg [dreg:$0x10]  }
0x5e: {  	[tilespmem:s0], [sflag:$0x1] =	stream.indirect_vreg.gather [hbm4b:s5+s4], $0x80, v11, vm0, $0xb8;
	[tilespmem:$0x1A080] =	vst v63  }
0x5f: {  	s13 =	rddreg [dreg:$0x11]  }
0x60: {  	[tilespmem:s13], [sflag:$0x1] =	stream.indirect_vreg.gather [hbm4b:s6+s4], $0x80, v11, vm0, $0xb8;
	[tilespmem:$0x1A080] =	vst v63  }
0x61: {  	v11 =	vld [tilespmem:$0x2020];
	_ =	sdelay $0x4  }
0x62: {  	v58 =	vshrl.u32 v11, $0x3  }
0x63: {  	v12 =	vmul.u32 $0x30, v58  }
0x64: {  	v11 =	vand.u32 $0x7, v11  }
0x65: {  	v11 =	vor.u32 v11, v12  }
0x66: {  	v12 =	vperm.xlane v11, v8;
	_ =	sdelay $0x1  }
0x67: {  	v12 =	vadd.s32 v9, v12;
	_ =	sdelay $0x3  }
0x68: {  	s0 =	rddreg [dreg:$0x12];
	v11 =	vperm.xlane v11, v10  }
0x69: {  	[tilespmem:s0], [sflag:$0x1] =	stream.indirect_vreg.gather [hbm4b:s1+s4], $0x80, v12, vm0, $0xb8;
	[tilespmem:$0x1A080] =	vst v63  }
0x6a: {  	s13 =	rddreg [dreg:$0x13];
	v11 =	vadd.s32 v9, v11  }
0x6b: {  	[tilespmem:s13], [sflag:$0x1] =	stream.indirect_vreg.gather [hbm4b:s5+s4], $0x80, v12, vm0, $0xb8;
	[tilespmem:$0x1A080] =	vst v63  }
0x6c: {  	s0 =	rddreg [dreg:$0x14]  }
0x6d: {  	[tilespmem:s0], [sflag:$0x1] =	stream.indirect_vreg.gather [hbm4b:s6+s4], $0x80, v12, vm0, $0xb8;
	[tilespmem:$0x1A080] =	vst v63  }
0x6e: {  	s13 =	rddreg [dreg:$0x15]  }
0x6f: {  	[tilespmem:s13], [sflag:$0x1] =	stream.indirect_vreg.gather [hbm4b:s1+s4], $0x80, v11, vm0, $0xb8;
	[tilespmem:$0x1A080] =	vst v63  }
0x70: {  	s0 =	rddreg [dreg:$0x16]  }
0x71: {  	[tilespmem:s0], [sflag:$0x1] =	stream.indirect_vreg.gather [hbm4b:s5+s4], $0x80, v11, vm0, $0xb8;
	[tilespmem:$0x1A080] =	vst v63  }
0x72: {  	s13 =	rddreg [dreg:$0x17]  }
0x73: {  	[tilespmem:s13], [sflag:$0x1] =	stream.indirect_vreg.gather [hbm4b:s6+s4], $0x80, v11, vm0, $0xb8;
	[tilespmem:$0x1A080] =	vst v63  }
0x74: {  	v11 =	vld [tilespmem:$0x2030];
	_ =	sdelay $0x4  }
0x75: {  	v59 =	vshrl.u32 v11, $0x3  }
0x76: {  	v12 =	vmul.u32 $0x30, v59  }
0x77: {  	v11 =	vand.u32 $0x7, v11  }
0x78: {  	v11 =	vor.u32 v11, v12  }
0x79: {  	v12 =	vperm.xlane v11, v8;
	_ =	sdelay $0x1  }
0x7a: {  	v12 =	vadd.s32 v9, v12;
	_ =	sdelay $0x3  }
0x7b: {  	s0 =	rddreg [dreg:$0x18];
	v11 =	vperm.xlane v11, v10  }
0x7c: {  	[tilespmem:s0], [sflag:$0x1] =	stream.indirect_vreg.gather [hbm4b:s1+s4], $0x80, v12, vm0, $0xb8;
	[tilespmem:$0x1A080] =	vst v63  }
0x7d: {  	s13 =	rddreg [dreg:$0x19];
	v11 =	vadd.s32 v9, v11  }
0x7e: {  	[tilespmem:s13], [sflag:$0x1] =	stream.indirect_vreg.gather [hbm4b:s5+s4], $0x80, v12, vm0, $0xb8;
	[tilespmem:$0x1A080] =	vst v63  }
0x7f: {  	s0 =	rddreg [dreg:$0x1a]  }
0x80: {  	[tilespmem:s0], [sflag:$0x1] =	stream.indirect_vreg.gather [hbm4b:s6+s4], $0x80, v12, vm0, $0xb8;
	[tilespmem:$0x1A080] =	vst v63  }
0x81: {  	s13 =	rddreg [dreg:$0x1b]  }
0x82: {  	[tilespmem:s13], [sflag:$0x1] =	stream.indirect_vreg.gather [hbm4b:s1+s4], $0x80, v11, vm0, $0xb8;
	[tilespmem:$0x1A080] =	vst v63  }
0x83: {  	s0 =	rddreg [dreg:$0x1c]  }
0x84: {  	[tilespmem:s0], [sflag:$0x1] =	stream.indirect_vreg.gather [hbm4b:s5+s4], $0x80, v11, vm0, $0xb8;
	[tilespmem:$0x1A080] =	vst v63  }
0x85: {  	s13 =	rddreg [dreg:$0x1d]  }
0x86: {  	[tilespmem:s13], [sflag:$0x1] =	stream.indirect_vreg.gather [hbm4b:s6+s4], $0x80, v11, vm0, $0xb8;
	[tilespmem:$0x1A080] =	vst v63  }
0x87: {  	v11 =	vld [tilespmem:$0x2000];
	_ =	sdelay $0x4  }
0x88: {  	v60 =	vshrl.u32 v11, $0x3  }
0x89: {  	v12 =	vmul.u32 $0x30, v60  }
0x8a: {  	v11 =	vand.u32 $0x7, v11  }
0x8b: {  	v11 =	vor.u32 v11, v12  }
0x8c: {  	v12 =	vperm.xlane v11, v8;
	_ =	sdelay $0x1  }
0x8d: {  	v12 =	vadd.s32 v9, v12;
	_ =	sdelay $0x3  }
0x8e: {  	s0 =	rddreg [dreg:$0x1e];
	v11 =	vperm.xlane v11, v10  }
0x8f: {  	[tilespmem:s12], [sflag:$0x2] =	stream.indirect_vreg.gather [hbm4b:s3+s4], $0x80, v12, vm0, $0xb8;
	[tilespmem:$0x1A080] =	vst v63  }
0x90: {  	s13 =	rddreg [dreg:$0x1f];
	v11 =	vadd.s32 v9, v11  }
0x91: {  	[tilespmem:s0], [sflag:$0x2] =	stream.indirect_vreg.gather [hbm4b:s7+s4], $0x80, v12, vm0, $0xb8;
	[tilespmem:$0x1A080] =	vst v63  }
0x92: {  	s0 =	sld [smem:$0x7FA]  }
0x93: {  	[tilespmem:s13], [sflag:$0x2] =	stream.indirect_vreg.gather [hbm4b:s8+s4], $0x80, v12, vm0, $0xb8;
	[tilespmem:$0x1A080] =	vst v63  }
0x94: {  	s13 =	sld [smem:$0x7FB]  }
0x95: {  	[tilespmem:s0], [sflag:$0x2] =	stream.indirect_vreg.gather [hbm4b:s3+s4], $0x80, v11, vm0, $0xb8;
	[tilespmem:$0x1A080] =	vst v63  }
0x96: {  	s0 =	sld [smem:$0x7FC]  }
0x97: {  	[tilespmem:s13], [sflag:$0x2] =	stream.indirect_vreg.gather [hbm4b:s7+s4], $0x80, v11, vm0, $0xb8;
	[tilespmem:$0x1A080] =	vst v63  }
0x98: {  	_ = 	snop  }
0x99: {  	[tilespmem:s0], [sflag:$0x2] =	stream.indirect_vreg.gather [hbm4b:s8+s4], $0x80, v11, vm0, $0xb8;
	[tilespmem:$0x1A080] =	vst v63  }
0x9a: {  	v11 =	vld [tilespmem:$0x2010];
	_ =	sdelay $0x4  }
0x9b: {  	v61 =	vshrl.u32 v11, $0x3  }
0x9c: {  	v12 =	vmul.u32 $0x30, v61  }
0x9d: {  	v11 =	vand.u32 $0x7, v11  }
0x9e: {  	v11 =	vor.u32 v11, v12  }
0x9f: {  	v12 =	vperm.xlane v11, v8;
	_ =	sdelay $0x1  }
0xa0: {  	v12 =	vadd.s32 v9, v12;
	_ =	sdelay $0x1  }
0xa1: {  	s13 =	sld [smem:$0x7FD];
	_ =	sdelay $0x1  }
0xa2: {  	v11 =	vperm.xlane v11, v10  }
0xa3: {  	[tilespmem:s13], [sflag:$0x2] =	stream.indirect_vreg.gather [hbm4b:s3+s4], $0x80, v12, vm0, $0xb8;
	[tilespmem:$0x1A080] =	vst v63  }
0xa4: {  	v11 =	vadd.s32 v9, v11;
	s13 =	simm.s32 $0x11880  }
0xa5: {  	[tilespmem:s13], [sflag:$0x2] =	stream.indirect_vreg.gather [hbm4b:s7+s4], $0x80, v12, vm0, $0xb8;
	[tilespmem:$0x1A080] =	vst v63  }
0xa6: {  	_ = 	snop  }
0xa7: {  	[tilespmem:s14], [sflag:$0x2] =	stream.indirect_vreg.gather [hbm4b:s8+s4], $0x80, v12, vm0, $0xb8;
	[tilespmem:$0x1A080] =	vst v63  }
0xa8: {  	_ = 	snop  }
0xa9: {  	[tilespmem:s15], [sflag:$0x2] =	stream.indirect_vreg.gather [hbm4b:s3+s4], $0x80, v11, vm0, $0xb8;
	[tilespmem:$0x1A080] =	vst v63  }
0xaa: {  	_ = 	snop  }
0xab: {  	[tilespmem:s16], [sflag:$0x2] =	stream.indirect_vreg.gather [hbm4b:s7+s4], $0x80, v11, vm0, $0xb8;
	[tilespmem:$0x1A080] =	vst v63  }
0xac: {  	_ = 	snop  }
0xad: {  	[tilespmem:s17], [sflag:$0x2] =	stream.indirect_vreg.gather [hbm4b:s8+s4], $0x80, v11, vm0, $0xb8;
	[tilespmem:$0x1A080] =	vst v63  }
0xae: {  	v11 =	vld [tilespmem:$0x2020];
	_ =	sdelay $0x4  }
0xaf: {  	v62 =	vshrl.u32 v11, $0x3  }
0xb0: {  	v12 =	vmul.u32 $0x30, v62  }
0xb1: {  	v11 =	vand.u32 $0x7, v11  }
0xb2: {  	v11 =	vor.u32 v11, v12  }
0xb3: {  	v12 =	vperm.xlane v11, v8;
	_ =	sdelay $0x1  }
0xb4: {  	v12 =	vadd.s32 v9, v12;
	_ =	sdelay $0x3  }
0xb5: {  	v11 =	vperm.xlane v11, v10  }
0xb6: {  	[tilespmem:s18], [sflag:$0x2] =	stream.indirect_vreg.gather [hbm4b:s3+s4], $0x80, v12, vm0, $0xb8;
	[tilespmem:$0x1A080] =	vst v63  }
0xb7: {  	v11 =	vadd.s32 v9, v11  }
0xb8: {  	[tilespmem:s19], [sflag:$0x2] =	stream.indirect_vreg.gather [hbm4b:s7+s4], $0x80, v12, vm0, $0xb8;
	[tilespmem:$0x1A080] =	vst v63  }
0xb9: {  	_ = 	snop  }
0xba: {  	[tilespmem:s20], [sflag:$0x2] =	stream.indirect_vreg.gather [hbm4b:s8+s4], $0x80, v12, vm0, $0xb8;
	[tilespmem:$0x1A080] =	vst v63  }
0xbb: {  	_ = 	snop  }
0xbc: {  	[tilespmem:s21], [sflag:$0x2] =	stream.indirect_vreg.gather [hbm4b:s3+s4], $0x80, v11, vm0, $0xb8;
	[tilespmem:$0x1A080] =	vst v63  }
0xbd: {  	_ = 	snop  }
0xbe: {  	[tilespmem:s22], [sflag:$0x2] =	stream.indirect_vreg.gather [hbm4b:s7+s4], $0x80, v11, vm0, $0xb8;
	[tilespmem:$0x1A080] =	vst v63  }
0xbf: {  	_ = 	snop  }
0xc0: {  	[tilespmem:s23], [sflag:$0x2] =	stream.indirect_vreg.gather [hbm4b:s8+s4], $0x80, v11, vm0, $0xb8;
	[tilespmem:$0x1A080] =	vst v63  }
0xc1: {  	v11 =	vld [tilespmem:$0x2030];
	_ =	sdelay $0x4  }
0xc2: {  	v63 =	vshrl.u32 v11, $0x3  }
0xc3: {  	v12 =	vmul.u32 $0x30, v63  }
0xc4: {  	v11 =	vand.u32 $0x7, v11  }
0xc5: {  	v11 =	vor.u32 v11, v12  }
0xc6: {  	v12 =	vperm.xlane v11, v8;
	_ =	sdelay $0x1  }
0xc7: {  	v12 =	vadd.s32 v9, v12;
	_ =	sdelay $0x3  }
0xc8: {  	v11 =	vperm.xlane v11, v10  }
0xc9: {  	[tilespmem:s24], [sflag:$0x2] =	stream.indirect_vreg.gather [hbm4b:s3+s4], $0x80, v12, vm0, $0xb8;
	[tilespmem:$0x1A080] =	vst v63  }
0xca: {  	v11 =	vadd.s32 v9, v11  }
0xcb: {  	[tilespmem:s25], [sflag:$0x2] =	stream.indirect_vreg.gather [hbm4b:s7+s4], $0x80, v12, vm0, $0xb8;
	[tilespmem:$0x1A080] =	vst v63  }
0xcc: {  	_ = 	snop  }
0xcd: {  	[tilespmem:s26], [sflag:$0x2] =	stream.indirect_vreg.gather [hbm4b:s8+s4], $0x80, v12, vm0, $0xb8;
	[tilespmem:$0x1A080] =	vst v63  }
0xce: {  	_ = 	snop  }
0xcf: {  	[tilespmem:s28], [sflag:$0x2] =	stream.indirect_vreg.gather [hbm4b:s3+s4], $0x80, v11, vm0, $0xb8;
	[tilespmem:$0x1A080] =	vst v63  }
0xd0: {  	_ = 	snop  }
0xd1: {  	[tilespmem:s29], [sflag:$0x2] =	stream.indirect_vreg.gather [hbm4b:s7+s4], $0x80, v11, vm0, $0xb8;
	[tilespmem:$0x1A080] =	vst v63  }
0xd2: {  	_ = 	snop  }
0xd3: {  	[tilespmem:s30], [sflag:$0x2] =	stream.indirect_vreg.gather [hbm4b:s8+s4], $0x80, v11, vm0, $0xb8;
	[tilespmem:$0x1A080] =	vst v63  }
0xd4: {  	_ =	swait.ge [sflag:s31], $0xC000  }
0xd5: {  	[sflag:s31] =	ssyncset.done $0x0  }
0xd6: {  	[sflag:s31] =	ssyncadd.s32 $0xFFFF4000  }
0xd7: {  	_ =	swait.ge [sflag:s2], $0xC000  }
0xd8: {  	[sflag:s2] =	ssyncset.done $0x0  }
0xd9: {  	s13 =	rddreg [dreg:$0x5];
	[sflag:s2] =	ssyncadd.s32 $0xFFFF4000  }
0xda: {  	[hbm4b:s13+s4] =	stream.linear.scatter [tilespmem:s11], [sflag:$0x3], $0xC000, $0x38;
	[tilespmem:$0x1A080] =	vst v63  }
0xdb: {  	_ =	swait.ge [sflag:s10], $0xC000  }
0xdc: {  	p0 =	sne.s32 s9, $0x1;
	[sflag:s10] =	ssyncset.done $0x0  }
.Ltmp0:
0xdd: {  	s13 =	rddreg [dreg:$0x6];
	[sflag:s10] =	ssyncadd.s32 $0xFFFF4000;
	(pc) =	sbr.rel @p0 .LBB2_1-.Ltmp0, $4  }
0xde: {  	[hbm4b:s13+s4] =	stream.linear.scatter [tilespmem:s12], [sflag:$0x3], $0xC000, $0x38;
	[tilespmem:$0x1A080] =	vst v63  }
0xdf: {  	_ =	swait.ge [sflag:s10], $0xC000  }
0xe0: {  	[sflag:s10] =	ssyncset.done $0x0  }
0xe1: {  	s9 =	sadd.s32 $0xFFFFFFFF, s9;
	[sflag:s10] =	ssyncadd.s32 $0xFFFF4000  }
0xe2: {  	_ =	sfence.sel $0x180000  }
0xe3: {  	[bflag:$0x0] =	sbarrier.arrive $0xFFFF  }
0xe4: {  	_ =	strace $0x90000047  }
0xe5: {  	s0 =	stileid.u32;
	[bflag:$0x2] =	sbarrier.arrive $0xFFFF  }
0xe6: {  	p0 =	sne.s32 s0, $0x0;
	s0 =	rddreg [dreg:$0x3]  }
0xe7: {  	s0 =	sadd.s32 @!p0 $0x100000, s0  }
0xe8: {  	[sflag:s0] =	ssyncadd.tile.s32 @!p0 $0x1;
	_ =	shalt  }
.Lfunc_end2:
_tile_overlayer_lowered:
.L_overlay_start_2:
0xe9: {  	(tag) =	ssettag $0x2  }
0xea: {  	s0 =	rddreg [dreg:$0x0];
	s2 =	stileid.u32  }
0xeb: {  	s1 =	rddreg [dreg:$0x1];
	p0 =	sne.s32 s2, $0x0  }
0xec: {  	s3 =	rddreg [dreg:$0x2];
	[bflag:$0x3] =	sbarrier.arrive $0xFFFF;
	s2 =	simm.s32 @!p0 $0x1C03  }
0xed: {  	[timem:s3], [sflag:s2] =	dma.local @!p0 [hbm:s0], s1  }
0xee: {  	s0 =	simm.s32 @!p0 $0x3  }
0xef: {  	_ =	swait.ge @!p0 [sflag:s0], s1  }
0xf0: {  	s1 =	ssub.s32 @!p0 $0x0, s1;
	[sflag:s0] =	ssyncset.done @!p0 $0x0  }
0xf1: {  	[sflag:s0] =	ssyncadd.s32 @!p0 s1  }
0xf2: {  	[bflag:$0x3] =	sbarrier.arrive $0xFFFF  }
0xf3: {  	_ =	shalt  }

</sc_bundles>
